<compile_context>
chip_gen: v7x
topology: tpu7x:2x2x1
jax: 0.10.2.dev20260603
libtpu: 0.0.44.dev20260713+nightly
codegen_flags: <defaults>
</compile_context>

<pallas_src>
import functools

import jax
import jax.numpy as jnp
from jax import lax
from jax.experimental import pallas as pl
from jax.experimental.pallas import tpu as pltpu
from jax.experimental.pallas import tpu_sc as plsc

NC = 2
NS = 16
NW = NC * NS
D = 64
CB = 128
S = 50

PREP_COLS = 16384


def _prep_block(in_ref, out_ref):
    out_ref[:, :D] = in_ref[...].T


def _tpose_block(in_ref, out_ref):
    out_ref[0] = in_ref[0].T[:D, :]


@jax.jit
def _emb_lookup(xT, table):
    Btot = xT.shape[1]
    b_per_w = Btot // NW
    jblocks = b_per_w // CB
    n_units = S * jblocks

    mesh = plsc.VectorSubcoreMesh(core_axis_name="c", subcore_axis_name="s")

    @functools.partial(
        pl.kernel,
        out_type=jax.ShapeDtypeStruct((S, Btot, 2 * D), jnp.float32),
        mesh=mesh,
        scratch_types=[
            pltpu.VMEM((S, b_per_w), jnp.int32),
            pltpu.VMEM((2, CB, 2 * D), jnp.float32),
            pltpu.SemaphoreType.DMA,
            pltpu.SemaphoreType.DMA,
        ],
        compiler_params=pltpu.CompilerParams(use_tc_tiling_on_sc=False),
    )
    def emb(table_hbm, xT_hbm, out_hbm, idx_v, rowbuf, sem_g, sem_s):
        wid = lax.axis_index("s") * NC + lax.axis_index("c")
        base = wid * b_per_w
        pltpu.sync_copy(xT_hbm.at[:, pl.ds(base, b_per_w)], idx_v)

        def gather_desc(k, p):
            s = k // jblocks
            j = k % jblocks
            return pltpu.make_async_copy(
                table_hbm.at[idx_v.at[s, pl.ds(j * CB, CB)]],
                rowbuf.at[p],
                sem_g,
            )

        def store_desc(k, p):
            s = k // jblocks
            j = k % jblocks
            return pltpu.make_async_copy(
                rowbuf.at[p, :, pl.ds(0, D)],
                out_hbm.at[s, pl.ds(base + j * CB, CB), pl.ds(0, D)],
                sem_s,
            )

        gather_desc(0, 0).start()

        def group(g, carry):
            for p in range(2):
                k = g * 2 + p

                @pl.when(k + 1 < n_units)
                def _():
                    gather_desc(k + 1, 1 - p).start()

                gather_desc(k, p).wait()

                @pl.when(k >= 2)
                def _():
                    store_desc(k - 2, p).wait()

                store_desc(k, p).start()
            return carry

        lax.fori_loop(0, n_units // 2, group, 0)
        store_desc(n_units - 2, 0).wait()
        store_desc(n_units - 1, 1).wait()

    return emb(table, xT)


def kernel(x, Embeddings):
    B0, B1 = x.shape
    V = Embeddings.shape[0]

    prep = pl.pallas_call(
        _prep_block,
        grid=(pl.cdiv(V, PREP_COLS),),
        in_specs=[pl.BlockSpec((D, PREP_COLS), lambda g: (0, g))],
        out_specs=pl.BlockSpec((PREP_COLS, 2 * D), lambda g: (g, 0)),
        out_shape=jax.ShapeDtypeStruct((V, 2 * D), jnp.float32),
    )
    table_pad = prep(Embeddings.T)

    xT = x.T.astype(jnp.int32)
    out3 = _emb_lookup(xT, table_pad)

    return out3[:, :, :D].transpose(1, 0, 2)

# --- scband reference (transcript-rebuilt; emitter-appended) ---
"""Pipeline reference for scband-embeding-7352984011383 (READ-ONLY COPY).

The authoritative reference and input builder live on the scoring server;
editing this copy changes nothing except your own understanding.
"""

import jax, jax.numpy as jnp
import numpy as np

NUM_EMBEDDINGS = 1000000
EMBEDDING_DIM = 64

def setup_inputs(seed: int = 0) -> dict:
    key = jax.random.key(seed)
    k_idx, k_emb = jax.random.split(key)
    x = jax.random.randint(k_idx, (16384, 50), 0, NUM_EMBEDDINGS, dtype=jnp.int64 if jax.config.read('jax_enable_x64') else jnp.int32)
    # truncated normal init (mean=0, std=1, a=-3, b=3), matching torch.nn.init.trunc_normal_
    Embeddings = jax.random.truncated_normal(k_emb, -3.0, 3.0, (NUM_EMBEDDINGS, EMBEDDING_DIM), dtype=jnp.float32)
    return {"x": x, "Embeddings": Embeddings}

def reference(x, Embeddings):
    # Faithful translation of: return self.Embeddings[x]
    return jnp.take(Embeddings, x, axis=0)

if __name__ == "__main__":
    import jax
    _d = setup_inputs()
    print(jax.jit(kernel)(*tuple(_d.values())))

</pallas_src>

<mosaic_0001>
#map = affine_map<(d0, d1) -> (0, 0)>
#map1 = affine_map<(d0, d1) -> (0, 0, 0)>
module attributes {stable_mosaic.version = 14 : i64} {
  func.func @emb(%arg0: i32, %arg1: i32, %arg2: memref<1000000x128xf32, #tpu.memory_space<hbm>>, %arg3: memref<50x16384xi32, #tpu.memory_space<hbm>>, %arg4: memref<50x16384x128xf32, #tpu.memory_space<hbm>>, %arg5: memref<50x512xi32, #tpu.memory_space<vmem>>, %arg6: memref<2x128x128xf32, #tpu.memory_space<vmem>>, %arg7: memref<!tpu.dma_semaphore, #tpu.memory_space<semaphore_mem>>, %arg8: memref<!tpu.dma_semaphore, #tpu.memory_space<semaphore_mem>>) attributes {dimension_semantics = [#tpu.dimension_semantics<core_parallel>, #tpu.dimension_semantics<subcore_parallel>], iteration_bounds = array<i64: 2, 16>, scalar_prefetch = 0 : i64, scratch_operands = 4 : i64, tpu.core_type = #tpu.core_type<sc_vector_subcore>, window_params = [{transform_indices = #map}, {transform_indices = #map}, {transform_indices = #map1}]} {
    %mul3A = arith.constant 2 : i32
    %mul3A_0 = arith.muli %arg1, %mul3A : i32
    %add3A = arith.addi %mul3A_0, %arg0 : i32
    %mul3A_1 = arith.constant 512 : i32
    %mul3A_2 = arith.muli %add3A, %mul3A_1 : i32
    "tpu.region"() ({
      %run_scoped3A = tpu.sem_alloc : memref<!tpu.dma_semaphore, #tpu.memory_space<semaphore_mem>>
      %dma_start3A_54 = arith.constant 0 : i32
      %dma_start3A_55 = tpu.memref_slice %arg3[%dma_start3A_54, %mul3A_2] : memref<50x16384xi32, #tpu.memory_space<hbm>> -> memref<50x512xi32, #tpu.memory_space<hbm>>
      %dma_start3A_56 = arith.constant 0 : i32
      %dma_start3A_57 = tpu.memref_slice %arg3[%dma_start3A_56, %mul3A_2] : memref<50x16384xi32, #tpu.memory_space<hbm>> -> memref<50x512xi32, #tpu.memory_space<hbm>>
      tpu.enqueue_dma source(%dma_start3A_57 : memref<50x512xi32, #tpu.memory_space<hbm>>) target(%arg5 : memref<50x512xi32, #tpu.memory_space<vmem>>) target_semaphore(%run_scoped3A : memref<!tpu.dma_semaphore, #tpu.memory_space<semaphore_mem>>)
      %dma_wait3A_58 = arith.constant 0 : i32
      %dma_wait3A_59 = tpu.memref_slice %arg3[%dma_wait3A_58, %mul3A_2] : memref<50x16384xi32, #tpu.memory_space<hbm>> -> memref<50x512xi32, #tpu.memory_space<hbm>>
      %dma_wait3A_60 = arith.constant 0 : i32
      %dma_wait3A_61 = tpu.memref_slice %arg3[%dma_wait3A_60, %mul3A_2] : memref<50x16384xi32, #tpu.memory_space<hbm>> -> memref<50x512xi32, #tpu.memory_space<hbm>>
      tpu.wait_dma2 semaphore(%run_scoped3A : memref<!tpu.dma_semaphore, #tpu.memory_space<semaphore_mem>>) src(%dma_wait3A_61 : memref<50x512xi32, #tpu.memory_space<hbm>>) dst(%arg5 : memref<50x512xi32, #tpu.memory_space<vmem>>)
      tpu.yield
    }) : () -> ()
    %dma_start3A = arith.constant 0 : i32
    %dma_start3A_3 = arith.constant 0 : i32
    %dma_start3A_4 = arith.constant 0 : i32
    %dma_start3A_5 = arith.constant 0 : i32
    %dma_start3A_6 = tpu.memref_slice %arg6[%dma_start3A_3, %dma_start3A_4, %dma_start3A_5] : memref<2x128x128xf32, #tpu.memory_space<vmem>> -> memref<1x128x128xf32, #tpu.memory_space<vmem>>
    %dma_start3A_7 = tpu.memref_squeeze %dma_start3A_6 : memref<1x128x128xf32, #tpu.memory_space<vmem>> -> memref<128x128xf32, #tpu.memory_space<vmem>>
    %dma_start3A_8 = arith.constant 0 : i32
    %dma_start3A_9 = tpu.memref_slice %arg5[%dma_start3A, %dma_start3A_8] : memref<50x512xi32, #tpu.memory_space<vmem>> -> memref<1x128xi32, #tpu.memory_space<vmem>>
    %dma_start3A_10 = tpu.memref_squeeze %dma_start3A_9 : memref<1x128xi32, #tpu.memory_space<vmem>> -> memref<128xi32, #tpu.memory_space<vmem>>
    %dma_start3A_11 = arith.constant 0 : i32
    %dma_start3A_12 = arith.constant 0 : i32
    %dma_start3A_13 = tpu.memref_slice %arg2[%dma_start3A_11, %dma_start3A_12] : memref<1000000x128xf32, #tpu.memory_space<hbm>> -> memref<1000000x128xf32, #tpu.memory_space<hbm>>
    tpu.enqueue_indirect_dma source(%dma_start3A_13 : memref<1000000x128xf32, #tpu.memory_space<hbm>>) target(%dma_start3A_7 : memref<128x128xf32, #tpu.memory_space<vmem>>) offsets(%dma_start3A_10 : memref<128xi32, #tpu.memory_space<vmem>>) semaphore(%arg7 : memref<!tpu.dma_semaphore, #tpu.memory_space<semaphore_mem>>)
    %scan3A = arith.constant 0 : i32
    %scan3A_14 = arith.constant 0 : i32
    %scan3A_15 = arith.constant 100 : i32
    %scan3A_16 = arith.addi %scan3A_14, %scan3A_15 : i32
    %scan3A_17 = arith.constant 1 : i32
    scf.for %scan3A_54 = %scan3A_14 to %scan3A_16 step %scan3A_17  : i32 {
      %mul3A_55 = arith.constant 2 : i32
      %mul3A_56 = arith.muli %scan3A_54, %mul3A_55 : i32
      %add3A_57 = arith.constant 0 : i32
      %add3A_58 = arith.addi %mul3A_56, %add3A_57 : i32
      %add3A_59 = arith.constant 1 : i32
      %add3A_60 = arith.addi %add3A_58, %add3A_59 : i32
      %lt3A = arith.constant 200 : i32
      %lt3A_61 = arith.cmpi slt, %add3A_60, %lt3A : i32
      %convert_element_type3A = arith.extui %lt3A_61 : i1 to i32
      %cond3A = arith.constant 0 : i32
      %cond3A_62 = arith.cmpi ne, %convert_element_type3A, %cond3A : i32
      scf.if %cond3A_62 {
        %add3A_294 = arith.constant 1 : i32
        %add3A_295 = arith.addi %add3A_58, %add3A_294 : i32
        %jit3A_296 = arith.constant 4 : i32
        %div3A_297 = arith.divsi %add3A_295, %jit3A_296 : i32
        %sign3A_298 = arith.constant 0 : i32
        %sign3A_299 = arith.cmpi sgt, %add3A_295, %sign3A_298 : i32
        %sign3A_300 = arith.extui %sign3A_299 : i1 to i32
        %sign3A_301 = arith.constant 0 : i32
        %sign3A_302 = arith.cmpi slt, %add3A_295, %sign3A_301 : i32
        %sign3A_303 = arith.extui %sign3A_302 : i1 to i32
        %sign3A_304 = arith.subi %sign3A_300, %sign3A_303 : i32
        %sign3A_305 = arith.constant 0 : i32
        %sign3A_306 = arith.cmpi sgt, %jit3A_296, %sign3A_305 : i32
        %sign3A_307 = arith.extui %sign3A_306 : i1 to i32
        %sign3A_308 = arith.constant 0 : i32
        %sign3A_309 = arith.cmpi slt, %jit3A_296, %sign3A_308 : i32
        %sign3A_310 = arith.extui %sign3A_309 : i1 to i32
        %sign3A_311 = arith.subi %sign3A_307, %sign3A_310 : i32
        %ne3A_312 = arith.cmpi ne, %sign3A_304, %sign3A_311 : i32
        %rem3A_313 = arith.remsi %add3A_295, %jit3A_296 : i32
        %ne3A_314 = arith.constant 0 : i32
        %ne3A_315 = arith.cmpi ne, %rem3A_313, %ne3A_314 : i32
        %and3A_316 = arith.andi %ne3A_312, %ne3A_315 : i1
        %sub3A_317 = arith.constant 1 : i32
        %sub3A_318 = arith.subi %div3A_297, %sub3A_317 : i32
        %select_n3A_319 = arith.select %and3A_316, %sub3A_318, %div3A_297 : i32
        %jit3A_320 = arith.constant 4 : i32
        %eq3A_321 = arith.constant 0 : i32
        %eq3A_322 = arith.cmpi eq, %jit3A_320, %eq3A_321 : i32
        %jit3A_323 = arith.constant 1 : i32
        %select_n3A_324 = arith.select %eq3A_322, %jit3A_323, %jit3A_320 : i32
        %rem3A_325 = arith.remsi %add3A_295, %select_n3A_324 : i32
        %ne3A_326 = arith.constant 0 : i32
        %ne3A_327 = arith.cmpi ne, %rem3A_325, %ne3A_326 : i32
        %lt3A_328 = arith.constant 0 : i32
        %lt3A_329 = arith.cmpi slt, %rem3A_325, %lt3A_328 : i32
        %lt3A_330 = arith.constant 0 : i32
        %lt3A_331 = arith.cmpi slt, %select_n3A_324, %lt3A_330 : i32
        %ne3A_332 = arith.xori %lt3A_329, %lt3A_331 : i1
        %and3A_333 = arith.andi %ne3A_332, %ne3A_327 : i1
        %add3A_334 = arith.addi %rem3A_325, %select_n3A_324 : i32
        %select_n3A_335 = arith.select %and3A_333, %add3A_334, %rem3A_325 : i32
        %mul3A_336 = arith.constant 128 : i32
        %mul3A_337 = arith.muli %select_n3A_335, %mul3A_336 : i32
        %dma_start3A_338 = arith.constant 1 : i32
        %dma_start3A_339 = arith.constant 0 : i32
        %dma_start3A_340 = arith.constant 0 : i32
        %dma_start3A_341 = tpu.memref_slice %arg6[%dma_start3A_338, %dma_start3A_339, %dma_start3A_340] : memref<2x128x128xf32, #tpu.memory_space<vmem>> -> memref<1x128x128xf32, #tpu.memory_space<vmem>>
        %dma_start3A_342 = tpu.memref_squeeze %dma_start3A_341 : memref<1x128x128xf32, #tpu.memory_space<vmem>> -> memref<128x128xf32, #tpu.memory_space<vmem>>
        %dma_start3A_343 = tpu.memref_slice %arg5[%select_n3A_319, %mul3A_337] : memref<50x512xi32, #tpu.memory_space<vmem>> -> memref<1x128xi32, #tpu.memory_space<vmem>>
        %dma_start3A_344 = tpu.memref_squeeze %dma_start3A_343 : memref<1x128xi32, #tpu.memory_space<vmem>> -> memref<128xi32, #tpu.memory_space<vmem>>
        %dma_start3A_345 = arith.constant 0 : i32
        %dma_start3A_346 = arith.constant 0 : i32
        %dma_start3A_347 = tpu.memref_slice %arg2[%dma_start3A_345, %dma_start3A_346] : memref<1000000x128xf32, #tpu.memory_space<hbm>> -> memref<1000000x128xf32, #tpu.memory_space<hbm>>
        tpu.enqueue_indirect_dma source(%dma_start3A_347 : memref<1000000x128xf32, #tpu.memory_space<hbm>>) target(%dma_start3A_342 : memref<128x128xf32, #tpu.memory_space<vmem>>) offsets(%dma_start3A_344 : memref<128xi32, #tpu.memory_space<vmem>>) semaphore(%arg7 : memref<!tpu.dma_semaphore, #tpu.memory_space<semaphore_mem>>)
      } else {
      }
      %jit3A = arith.constant 4 : i32
      %div3A = arith.divsi %add3A_58, %jit3A : i32
      %sign3A = arith.constant 0 : i32
      %sign3A_63 = arith.cmpi sgt, %add3A_58, %sign3A : i32
      %sign3A_64 = arith.extui %sign3A_63 : i1 to i32
      %sign3A_65 = arith.constant 0 : i32
      %sign3A_66 = arith.cmpi slt, %add3A_58, %sign3A_65 : i32
      %sign3A_67 = arith.extui %sign3A_66 : i1 to i32
      %sign3A_68 = arith.subi %sign3A_64, %sign3A_67 : i32
      %sign3A_69 = arith.constant 0 : i32
      %sign3A_70 = arith.cmpi sgt, %jit3A, %sign3A_69 : i32
      %sign3A_71 = arith.extui %sign3A_70 : i1 to i32
      %sign3A_72 = arith.constant 0 : i32
      %sign3A_73 = arith.cmpi slt, %jit3A, %sign3A_72 : i32
      %sign3A_74 = arith.extui %sign3A_73 : i1 to i32
      %sign3A_75 = arith.subi %sign3A_71, %sign3A_74 : i32
      %ne3A = arith.cmpi ne, %sign3A_68, %sign3A_75 : i32
      %rem3A = arith.remsi %add3A_58, %jit3A : i32
      %ne3A_76 = arith.constant 0 : i32
      %ne3A_77 = arith.cmpi ne, %rem3A, %ne3A_76 : i32
      %and3A = arith.andi %ne3A, %ne3A_77 : i1
      %sub3A = arith.constant 1 : i32
      %sub3A_78 = arith.subi %div3A, %sub3A : i32
      %select_n3A = arith.select %and3A, %sub3A_78, %div3A : i32
      %jit3A_79 = arith.constant 4 : i32
      %eq3A = arith.constant 0 : i32
      %eq3A_80 = arith.cmpi eq, %jit3A_79, %eq3A : i32
      %jit3A_81 = arith.constant 1 : i32
      %select_n3A_82 = arith.select %eq3A_80, %jit3A_81, %jit3A_79 : i32
      %rem3A_83 = arith.remsi %add3A_58, %select_n3A_82 : i32
      %ne3A_84 = arith.constant 0 : i32
      %ne3A_85 = arith.cmpi ne, %rem3A_83, %ne3A_84 : i32
      %lt3A_86 = arith.constant 0 : i32
      %lt3A_87 = arith.cmpi slt, %rem3A_83, %lt3A_86 : i32
      %lt3A_88 = arith.constant 0 : i32
      %lt3A_89 = arith.cmpi slt, %select_n3A_82, %lt3A_88 : i32
      %ne3A_90 = arith.xori %lt3A_87, %lt3A_89 : i1
      %and3A_91 = arith.andi %ne3A_90, %ne3A_85 : i1
      %add3A_92 = arith.addi %rem3A_83, %select_n3A_82 : i32
      %select_n3A_93 = arith.select %and3A_91, %add3A_92, %rem3A_83 : i32
      %mul3A_94 = arith.constant 128 : i32
      %mul3A_95 = arith.muli %select_n3A_93, %mul3A_94 : i32
      %dma_wait3A_96 = arith.constant 0 : i32
      %dma_wait3A_97 = arith.constant 0 : i32
      %dma_wait3A_98 = arith.constant 0 : i32
      %dma_wait3A_99 = tpu.memref_slice %arg6[%dma_wait3A_96, %dma_wait3A_97, %dma_wait3A_98] : memref<2x128x128xf32, #tpu.memory_space<vmem>> -> memref<1x128x128xf32, #tpu.memory_space<vmem>>
      %dma_wait3A_100 = tpu.memref_squeeze %dma_wait3A_99 : memref<1x128x128xf32, #tpu.memory_space<vmem>> -> memref<128x128xf32, #tpu.memory_space<vmem>>
      %dma_wait3A_101 = tpu.memref_slice %arg5[%select_n3A, %mul3A_95] : memref<50x512xi32, #tpu.memory_space<vmem>> -> memref<1x128xi32, #tpu.memory_space<vmem>>
      %dma_wait3A_102 = tpu.memref_squeeze %dma_wait3A_101 : memref<1x128xi32, #tpu.memory_space<vmem>> -> memref<128xi32, #tpu.memory_space<vmem>>
      %dma_wait3A_103 = arith.constant 0 : i32
      %dma_wait3A_104 = arith.constant 0 : i32
      %dma_wait3A_105 = tpu.memref_slice %arg2[%dma_wait3A_103, %dma_wait3A_104] : memref<1000000x128xf32, #tpu.memory_space<hbm>> -> memref<1000000x128xf32, #tpu.memory_space<hbm>>
      tpu.wait_indirect_dma semaphore(%arg7 : memref<!tpu.dma_semaphore, #tpu.memory_space<semaphore_mem>>) src(%dma_wait3A_105 : memref<1000000x128xf32, #tpu.memory_space<hbm>>) dst(%dma_wait3A_100 : memref<128x128xf32, #tpu.memory_space<vmem>>)
      %ge3A = arith.constant 2 : i32
      %ge3A_106 = arith.cmpi sge, %add3A_58, %ge3A : i32
      %convert_element_type3A_107 = arith.extui %ge3A_106 : i1 to i32
      %cond3A_108 = arith.constant 0 : i32
      %cond3A_109 = arith.cmpi ne, %convert_element_type3A_107, %cond3A_108 : i32
      scf.if %cond3A_109 {
        %sub3A_294 = arith.constant 2 : i32
        %sub3A_295 = arith.subi %add3A_58, %sub3A_294 : i32
        %jit3A_296 = arith.constant 4 : i32
        %div3A_297 = arith.divsi %sub3A_295, %jit3A_296 : i32
        %sign3A_298 = arith.constant 0 : i32
        %sign3A_299 = arith.cmpi sgt, %sub3A_295, %sign3A_298 : i32
        %sign3A_300 = arith.extui %sign3A_299 : i1 to i32
        %sign3A_301 = arith.constant 0 : i32
        %sign3A_302 = arith.cmpi slt, %sub3A_295, %sign3A_301 : i32
        %sign3A_303 = arith.extui %sign3A_302 : i1 to i32
        %sign3A_304 = arith.subi %sign3A_300, %sign3A_303 : i32
        %sign3A_305 = arith.constant 0 : i32
        %sign3A_306 = arith.cmpi sgt, %jit3A_296, %sign3A_305 : i32
        %sign3A_307 = arith.extui %sign3A_306 : i1 to i32
        %sign3A_308 = arith.constant 0 : i32
        %sign3A_309 = arith.cmpi slt, %jit3A_296, %sign3A_308 : i32
        %sign3A_310 = arith.extui %sign3A_309 : i1 to i32
        %sign3A_311 = arith.subi %sign3A_307, %sign3A_310 : i32
        %ne3A_312 = arith.cmpi ne, %sign3A_304, %sign3A_311 : i32
        %rem3A_313 = arith.remsi %sub3A_295, %jit3A_296 : i32
        %ne3A_314 = arith.constant 0 : i32
        %ne3A_315 = arith.cmpi ne, %rem3A_313, %ne3A_314 : i32
        %and3A_316 = arith.andi %ne3A_312, %ne3A_315 : i1
        %sub3A_317 = arith.constant 1 : i32
        %sub3A_318 = arith.subi %div3A_297, %sub3A_317 : i32
        %select_n3A_319 = arith.select %and3A_316, %sub3A_318, %div3A_297 : i32
        %jit3A_320 = arith.constant 4 : i32
        %eq3A_321 = arith.constant 0 : i32
        %eq3A_322 = arith.cmpi eq, %jit3A_320, %eq3A_321 : i32
        %jit3A_323 = arith.constant 1 : i32
        %select_n3A_324 = arith.select %eq3A_322, %jit3A_323, %jit3A_320 : i32
        %rem3A_325 = arith.remsi %sub3A_295, %select_n3A_324 : i32
        %ne3A_326 = arith.constant 0 : i32
        %ne3A_327 = arith.cmpi ne, %rem3A_325, %ne3A_326 : i32
        %lt3A_328 = arith.constant 0 : i32
        %lt3A_329 = arith.cmpi slt, %rem3A_325, %lt3A_328 : i32
        %lt3A_330 = arith.constant 0 : i32
        %lt3A_331 = arith.cmpi slt, %select_n3A_324, %lt3A_330 : i32
        %ne3A_332 = arith.xori %lt3A_329, %lt3A_331 : i1
        %and3A_333 = arith.andi %ne3A_332, %ne3A_327 : i1
        %add3A_334 = arith.addi %rem3A_325, %select_n3A_324 : i32
        %select_n3A_335 = arith.select %and3A_333, %add3A_334, %rem3A_325 : i32
        %mul3A_336 = arith.constant 128 : i32
        %mul3A_337 = arith.muli %select_n3A_335, %mul3A_336 : i32
        %add3A_338 = arith.addi %mul3A_2, %mul3A_337 : i32
        %dma_wait3A_339 = arith.constant 0 : i32
        %dma_wait3A_340 = arith.constant 0 : i32
        %dma_wait3A_341 = arith.constant 0 : i32
        %dma_wait3A_342 = tpu.memref_slice %arg6[%dma_wait3A_339, %dma_wait3A_340, %dma_wait3A_341] : memref<2x128x128xf32, #tpu.memory_space<vmem>> -> memref<1x128x64xf32, #tpu.memory_space<vmem>>
        %dma_wait3A_343 = tpu.memref_squeeze %dma_wait3A_342 : memref<1x128x64xf32, #tpu.memory_space<vmem>> -> memref<128x64xf32, #tpu.memory_space<vmem>>
        %dma_wait3A_344 = arith.constant 0 : i32
        %dma_wait3A_345 = tpu.memref_slice %arg4[%select_n3A_319, %add3A_338, %dma_wait3A_344] : memref<50x16384x128xf32, #tpu.memory_space<hbm>> -> memref<1x128x64xf32, #tpu.memory_space<hbm>>
        %dma_wait3A_346 = tpu.memref_squeeze %dma_wait3A_345 : memref<1x128x64xf32, #tpu.memory_space<hbm>> -> memref<128x64xf32, #tpu.memory_space<hbm>>
        %dma_wait3A_347 = arith.constant 0 : i32
        %dma_wait3A_348 = tpu.memref_slice %arg4[%select_n3A_319, %add3A_338, %dma_wait3A_347] : memref<50x16384x128xf32, #tpu.memory_space<hbm>> -> memref<1x128x64xf32, #tpu.memory_space<hbm>>
        %dma_wait3A_349 = tpu.memref_squeeze %dma_wait3A_348 : memref<1x128x64xf32, #tpu.memory_space<hbm>> -> memref<128x64xf32, #tpu.memory_space<hbm>>
        %dma_wait3A_350 = arith.constant 0 : i32
        %dma_wait3A_351 = arith.constant 0 : i32
        %dma_wait3A_352 = tpu.memref_slice %arg6[%dma_wait3A_339, %dma_wait3A_350, %dma_wait3A_351] : memref<2x128x128xf32, #tpu.memory_space<vmem>> -> memref<1x128x64xf32, #tpu.memory_space<vmem>>
        %dma_wait3A_353 = tpu.memref_squeeze %dma_wait3A_352 : memref<1x128x64xf32, #tpu.memory_space<vmem>> -> memref<128x64xf32, #tpu.memory_space<vmem>>
        tpu.wait_dma2 semaphore(%arg8 : memref<!tpu.dma_semaphore, #tpu.memory_space<semaphore_mem>>) src(%dma_wait3A_353 : memref<128x64xf32, #tpu.memory_space<vmem>>) dst(%dma_wait3A_349 : memref<128x64xf32, #tpu.memory_space<hbm>>)
      } else {
      }
      %jit3A_110 = arith.constant 4 : i32
      %div3A_111 = arith.divsi %add3A_58, %jit3A_110 : i32
      %sign3A_112 = arith.constant 0 : i32
      %sign3A_113 = arith.cmpi sgt, %add3A_58, %sign3A_112 : i32
      %sign3A_114 = arith.extui %sign3A_113 : i1 to i32
      %sign3A_115 = arith.constant 0 : i32
      %sign3A_116 = arith.cmpi slt, %add3A_58, %sign3A_115 : i32
      %sign3A_117 = arith.extui %sign3A_116 : i1 to i32
      %sign3A_118 = arith.subi %sign3A_114, %sign3A_117 : i32
      %sign3A_119 = arith.constant 0 : i32
      %sign3A_120 = arith.cmpi sgt, %jit3A_110, %sign3A_119 : i32
      %sign3A_121 = arith.extui %sign3A_120 : i1 to i32
      %sign3A_122 = arith.constant 0 : i32
      %sign3A_123 = arith.cmpi slt, %jit3A_110, %sign3A_122 : i32
      %sign3A_124 = arith.extui %sign3A_123 : i1 to i32
      %sign3A_125 = arith.subi %sign3A_121, %sign3A_124 : i32
      %ne3A_126 = arith.cmpi ne, %sign3A_118, %sign3A_125 : i32
      %rem3A_127 = arith.remsi %add3A_58, %jit3A_110 : i32
      %ne3A_128 = arith.constant 0 : i32
      %ne3A_129 = arith.cmpi ne, %rem3A_127, %ne3A_128 : i32
      %and3A_130 = arith.andi %ne3A_126, %ne3A_129 : i1
      %sub3A_131 = arith.constant 1 : i32
      %sub3A_132 = arith.subi %div3A_111, %sub3A_131 : i32
      %select_n3A_133 = arith.select %and3A_130, %sub3A_132, %div3A_111 : i32
      %jit3A_134 = arith.constant 4 : i32
      %eq3A_135 = arith.constant 0 : i32
      %eq3A_136 = arith.cmpi eq, %jit3A_134, %eq3A_135 : i32
      %jit3A_137 = arith.constant 1 : i32
      %select_n3A_138 = arith.select %eq3A_136, %jit3A_137, %jit3A_134 : i32
      %rem3A_139 = arith.remsi %add3A_58, %select_n3A_138 : i32
      %ne3A_140 = arith.constant 0 : i32
      %ne3A_141 = arith.cmpi ne, %rem3A_139, %ne3A_140 : i32
      %lt3A_142 = arith.constant 0 : i32
      %lt3A_143 = arith.cmpi slt, %rem3A_139, %lt3A_142 : i32
      %lt3A_144 = arith.constant 0 : i32
      %lt3A_145 = arith.cmpi slt, %select_n3A_138, %lt3A_144 : i32
      %ne3A_146 = arith.xori %lt3A_143, %lt3A_145 : i1
      %and3A_147 = arith.andi %ne3A_146, %ne3A_141 : i1
      %add3A_148 = arith.addi %rem3A_139, %select_n3A_138 : i32
      %select_n3A_149 = arith.select %and3A_147, %add3A_148, %rem3A_139 : i32
      %mul3A_150 = arith.constant 128 : i32
      %mul3A_151 = arith.muli %select_n3A_149, %mul3A_150 : i32
      %add3A_152 = arith.addi %mul3A_2, %mul3A_151 : i32
      %dma_start3A_153 = arith.constant 0 : i32
      %dma_start3A_154 = arith.constant 0 : i32
      %dma_start3A_155 = arith.constant 0 : i32
      %dma_start3A_156 = tpu.memref_slice %arg6[%dma_start3A_153, %dma_start3A_154, %dma_start3A_155] : memref<2x128x128xf32, #tpu.memory_space<vmem>> -> memref<1x128x64xf32, #tpu.memory_space<vmem>>
      %dma_start3A_157 = tpu.memref_squeeze %dma_start3A_156 : memref<1x128x64xf32, #tpu.memory_space<vmem>> -> memref<128x64xf32, #tpu.memory_space<vmem>>
      %dma_start3A_158 = arith.constant 0 : i32
      %dma_start3A_159 = tpu.memref_slice %arg4[%select_n3A_133, %add3A_152, %dma_start3A_158] : memref<50x16384x128xf32, #tpu.memory_space<hbm>> -> memref<1x128x64xf32, #tpu.memory_space<hbm>>
      %dma_start3A_160 = tpu.memref_squeeze %dma_start3A_159 : memref<1x128x64xf32, #tpu.memory_space<hbm>> -> memref<128x64xf32, #tpu.memory_space<hbm>>
      %dma_start3A_161 = arith.constant 0 : i32
      %dma_start3A_162 = tpu.memref_slice %arg4[%select_n3A_133, %add3A_152, %dma_start3A_161] : memref<50x16384x128xf32, #tpu.memory_space<hbm>> -> memref<1x128x64xf32, #tpu.memory_space<hbm>>
      %dma_start3A_163 = tpu.memref_squeeze %dma_start3A_162 : memref<1x128x64xf32, #tpu.memory_space<hbm>> -> memref<128x64xf32, #tpu.memory_space<hbm>>
      %dma_start3A_164 = arith.constant 0 : i32
      %dma_start3A_165 = arith.constant 0 : i32
      %dma_start3A_166 = tpu.memref_slice %arg6[%dma_start3A_153, %dma_start3A_164, %dma_start3A_165] : memref<2x128x128xf32, #tpu.memory_space<vmem>> -> memref<1x128x64xf32, #tpu.memory_space<vmem>>
      %dma_start3A_167 = tpu.memref_squeeze %dma_start3A_166 : memref<1x128x64xf32, #tpu.memory_space<vmem>> -> memref<128x64xf32, #tpu.memory_space<vmem>>
      tpu.enqueue_dma source(%dma_start3A_167 : memref<128x64xf32, #tpu.memory_space<vmem>>) target(%dma_start3A_163 : memref<128x64xf32, #tpu.memory_space<hbm>>) target_semaphore(%arg8 : memref<!tpu.dma_semaphore, #tpu.memory_space<semaphore_mem>>)
      %mul3A_168 = arith.constant 2 : i32
      %mul3A_169 = arith.muli %scan3A_54, %mul3A_168 : i32
      %add3A_170 = arith.constant 1 : i32
      %add3A_171 = arith.addi %mul3A_169, %add3A_170 : i32
      %add3A_172 = arith.constant 1 : i32
      %add3A_173 = arith.addi %add3A_171, %add3A_172 : i32
      %lt3A_174 = arith.constant 200 : i32
      %lt3A_175 = arith.cmpi slt, %add3A_173, %lt3A_174 : i32
      %convert_element_type3A_176 = arith.extui %lt3A_175 : i1 to i32
      %cond3A_177 = arith.constant 0 : i32
      %cond3A_178 = arith.cmpi ne, %convert_element_type3A_176, %cond3A_177 : i32
      scf.if %cond3A_178 {
        %add3A_294 = arith.constant 1 : i32
        %add3A_295 = arith.addi %add3A_171, %add3A_294 : i32
        %jit3A_296 = arith.constant 4 : i32
        %div3A_297 = arith.divsi %add3A_295, %jit3A_296 : i32
        %sign3A_298 = arith.constant 0 : i32
        %sign3A_299 = arith.cmpi sgt, %add3A_295, %sign3A_298 : i32
        %sign3A_300 = arith.extui %sign3A_299 : i1 to i32
        %sign3A_301 = arith.constant 0 : i32
        %sign3A_302 = arith.cmpi slt, %add3A_295, %sign3A_301 : i32
        %sign3A_303 = arith.extui %sign3A_302 : i1 to i32
        %sign3A_304 = arith.subi %sign3A_300, %sign3A_303 : i32
        %sign3A_305 = arith.constant 0 : i32
        %sign3A_306 = arith.cmpi sgt, %jit3A_296, %sign3A_305 : i32
        %sign3A_307 = arith.extui %sign3A_306 : i1 to i32
        %sign3A_308 = arith.constant 0 : i32
        %sign3A_309 = arith.cmpi slt, %jit3A_296, %sign3A_308 : i32
        %sign3A_310 = arith.extui %sign3A_309 : i1 to i32
        %sign3A_311 = arith.subi %sign3A_307, %sign3A_310 : i32
        %ne3A_312 = arith.cmpi ne, %sign3A_304, %sign3A_311 : i32
        %rem3A_313 = arith.remsi %add3A_295, %jit3A_296 : i32
        %ne3A_314 = arith.constant 0 : i32
        %ne3A_315 = arith.cmpi ne, %rem3A_313, %ne3A_314 : i32
        %and3A_316 = arith.andi %ne3A_312, %ne3A_315 : i1
        %sub3A_317 = arith.constant 1 : i32
        %sub3A_318 = arith.subi %div3A_297, %sub3A_317 : i32
        %select_n3A_319 = arith.select %and3A_316, %sub3A_318, %div3A_297 : i32
        %jit3A_320 = arith.constant 4 : i32
        %eq3A_321 = arith.constant 0 : i32
        %eq3A_322 = arith.cmpi eq, %jit3A_320, %eq3A_321 : i32
        %jit3A_323 = arith.constant 1 : i32
        %select_n3A_324 = arith.select %eq3A_322, %jit3A_323, %jit3A_320 : i32
        %rem3A_325 = arith.remsi %add3A_295, %select_n3A_324 : i32
        %ne3A_326 = arith.constant 0 : i32
        %ne3A_327 = arith.cmpi ne, %rem3A_325, %ne3A_326 : i32
        %lt3A_328 = arith.constant 0 : i32
        %lt3A_329 = arith.cmpi slt, %rem3A_325, %lt3A_328 : i32
        %lt3A_330 = arith.constant 0 : i32
        %lt3A_331 = arith.cmpi slt, %select_n3A_324, %lt3A_330 : i32
        %ne3A_332 = arith.xori %lt3A_329, %lt3A_331 : i1
        %and3A_333 = arith.andi %ne3A_332, %ne3A_327 : i1
        %add3A_334 = arith.addi %rem3A_325, %select_n3A_324 : i32
        %select_n3A_335 = arith.select %and3A_333, %add3A_334, %rem3A_325 : i32
        %mul3A_336 = arith.constant 128 : i32
        %mul3A_337 = arith.muli %select_n3A_335, %mul3A_336 : i32
        %dma_start3A_338 = arith.constant 0 : i32
        %dma_start3A_339 = arith.constant 0 : i32
        %dma_start3A_340 = arith.constant 0 : i32
        %dma_start3A_341 = tpu.memref_slice %arg6[%dma_start3A_338, %dma_start3A_339, %dma_start3A_340] : memref<2x128x128xf32, #tpu.memory_space<vmem>> -> memref<1x128x128xf32, #tpu.memory_space<vmem>>
        %dma_start3A_342 = tpu.memref_squeeze %dma_start3A_341 : memref<1x128x128xf32, #tpu.memory_space<vmem>> -> memref<128x128xf32, #tpu.memory_space<vmem>>
        %dma_start3A_343 = tpu.memref_slice %arg5[%select_n3A_319, %mul3A_337] : memref<50x512xi32, #tpu.memory_space<vmem>> -> memref<1x128xi32, #tpu.memory_space<vmem>>
        %dma_start3A_344 = tpu.memref_squeeze %dma_start3A_343 : memref<1x128xi32, #tpu.memory_space<vmem>> -> memref<128xi32, #tpu.memory_space<vmem>>
        %dma_start3A_345 = arith.constant 0 : i32
        %dma_start3A_346 = arith.constant 0 : i32
        %dma_start3A_347 = tpu.memref_slice %arg2[%dma_start3A_345, %dma_start3A_346] : memref<1000000x128xf32, #tpu.memory_space<hbm>> -> memref<1000000x128xf32, #tpu.memory_space<hbm>>
        tpu.enqueue_indirect_dma source(%dma_start3A_347 : memref<1000000x128xf32, #tpu.memory_space<hbm>>) target(%dma_start3A_342 : memref<128x128xf32, #tpu.memory_space<vmem>>) offsets(%dma_start3A_344 : memref<128xi32, #tpu.memory_space<vmem>>) semaphore(%arg7 : memref<!tpu.dma_semaphore, #tpu.memory_space<semaphore_mem>>)
      } else {
      }
      %jit3A_179 = arith.constant 4 : i32
      %div3A_180 = arith.divsi %add3A_171, %jit3A_179 : i32
      %sign3A_181 = arith.constant 0 : i32
      %sign3A_182 = arith.cmpi sgt, %add3A_171, %sign3A_181 : i32
      %sign3A_183 = arith.extui %sign3A_182 : i1 to i32
      %sign3A_184 = arith.constant 0 : i32
      %sign3A_185 = arith.cmpi slt, %add3A_171, %sign3A_184 : i32
      %sign3A_186 = arith.extui %sign3A_185 : i1 to i32
      %sign3A_187 = arith.subi %sign3A_183, %sign3A_186 : i32
      %sign3A_188 = arith.constant 0 : i32
      %sign3A_189 = arith.cmpi sgt, %jit3A_179, %sign3A_188 : i32
      %sign3A_190 = arith.extui %sign3A_189 : i1 to i32
      %sign3A_191 = arith.constant 0 : i32
      %sign3A_192 = arith.cmpi slt, %jit3A_179, %sign3A_191 : i32
      %sign3A_193 = arith.extui %sign3A_192 : i1 to i32
      %sign3A_194 = arith.subi %sign3A_190, %sign3A_193 : i32
      %ne3A_195 = arith.cmpi ne, %sign3A_187, %sign3A_194 : i32
      %rem3A_196 = arith.remsi %add3A_171, %jit3A_179 : i32
      %ne3A_197 = arith.constant 0 : i32
      %ne3A_198 = arith.cmpi ne, %rem3A_196, %ne3A_197 : i32
      %and3A_199 = arith.andi %ne3A_195, %ne3A_198 : i1
      %sub3A_200 = arith.constant 1 : i32
      %sub3A_201 = arith.subi %div3A_180, %sub3A_200 : i32
      %select_n3A_202 = arith.select %and3A_199, %sub3A_201, %div3A_180 : i32
      %jit3A_203 = arith.constant 4 : i32
      %eq3A_204 = arith.constant 0 : i32
      %eq3A_205 = arith.cmpi eq, %jit3A_203, %eq3A_204 : i32
      %jit3A_206 = arith.constant 1 : i32
      %select_n3A_207 = arith.select %eq3A_205, %jit3A_206, %jit3A_203 : i32
      %rem3A_208 = arith.remsi %add3A_171, %select_n3A_207 : i32
      %ne3A_209 = arith.constant 0 : i32
      %ne3A_210 = arith.cmpi ne, %rem3A_208, %ne3A_209 : i32
      %lt3A_211 = arith.constant 0 : i32
      %lt3A_212 = arith.cmpi slt, %rem3A_208, %lt3A_211 : i32
      %lt3A_213 = arith.constant 0 : i32
      %lt3A_214 = arith.cmpi slt, %select_n3A_207, %lt3A_213 : i32
      %ne3A_215 = arith.xori %lt3A_212, %lt3A_214 : i1
      %and3A_216 = arith.andi %ne3A_215, %ne3A_210 : i1
      %add3A_217 = arith.addi %rem3A_208, %select_n3A_207 : i32
      %select_n3A_218 = arith.select %and3A_216, %add3A_217, %rem3A_208 : i32
      %mul3A_219 = arith.constant 128 : i32
      %mul3A_220 = arith.muli %select_n3A_218, %mul3A_219 : i32
      %dma_wait3A_221 = arith.constant 1 : i32
      %dma_wait3A_222 = arith.constant 0 : i32
      %dma_wait3A_223 = arith.constant 0 : i32
      %dma_wait3A_224 = tpu.memref_slice %arg6[%dma_wait3A_221, %dma_wait3A_222, %dma_wait3A_223] : memref<2x128x128xf32, #tpu.memory_space<vmem>> -> memref<1x128x128xf32, #tpu.memory_space<vmem>>
      %dma_wait3A_225 = tpu.memref_squeeze %dma_wait3A_224 : memref<1x128x128xf32, #tpu.memory_space<vmem>> -> memref<128x128xf32, #tpu.memory_space<vmem>>
      %dma_wait3A_226 = tpu.memref_slice %arg5[%select_n3A_202, %mul3A_220] : memref<50x512xi32, #tpu.memory_space<vmem>> -> memref<1x128xi32, #tpu.memory_space<vmem>>
      %dma_wait3A_227 = tpu.memref_squeeze %dma_wait3A_226 : memref<1x128xi32, #tpu.memory_space<vmem>> -> memref<128xi32, #tpu.memory_space<vmem>>
      %dma_wait3A_228 = arith.constant 0 : i32
      %dma_wait3A_229 = arith.constant 0 : i32
      %dma_wait3A_230 = tpu.memref_slice %arg2[%dma_wait3A_228, %dma_wait3A_229] : memref<1000000x128xf32, #tpu.memory_space<hbm>> -> memref<1000000x128xf32, #tpu.memory_space<hbm>>
      tpu.wait_indirect_dma semaphore(%arg7 : memref<!tpu.dma_semaphore, #tpu.memory_space<semaphore_mem>>) src(%dma_wait3A_230 : memref<1000000x128xf32, #tpu.memory_space<hbm>>) dst(%dma_wait3A_225 : memref<128x128xf32, #tpu.memory_space<vmem>>)
      %ge3A_231 = arith.constant 2 : i32
      %ge3A_232 = arith.cmpi sge, %add3A_171, %ge3A_231 : i32
      %convert_element_type3A_233 = arith.extui %ge3A_232 : i1 to i32
      %cond3A_234 = arith.constant 0 : i32
      %cond3A_235 = arith.cmpi ne, %convert_element_type3A_233, %cond3A_234 : i32
      scf.if %cond3A_235 {
        %sub3A_294 = arith.constant 2 : i32
        %sub3A_295 = arith.subi %add3A_171, %sub3A_294 : i32
        %jit3A_296 = arith.constant 4 : i32
        %div3A_297 = arith.divsi %sub3A_295, %jit3A_296 : i32
        %sign3A_298 = arith.constant 0 : i32
        %sign3A_299 = arith.cmpi sgt, %sub3A_295, %sign3A_298 : i32
        %sign3A_300 = arith.extui %sign3A_299 : i1 to i32
        %sign3A_301 = arith.constant 0 : i32
        %sign3A_302 = arith.cmpi slt, %sub3A_295, %sign3A_301 : i32
        %sign3A_303 = arith.extui %sign3A_302 : i1 to i32
        %sign3A_304 = arith.subi %sign3A_300, %sign3A_303 : i32
        %sign3A_305 = arith.constant 0 : i32
        %sign3A_306 = arith.cmpi sgt, %jit3A_296, %sign3A_305 : i32
        %sign3A_307 = arith.extui %sign3A_306 : i1 to i32
        %sign3A_308 = arith.constant 0 : i32
        %sign3A_309 = arith.cmpi slt, %jit3A_296, %sign3A_308 : i32
        %sign3A_310 = arith.extui %sign3A_309 : i1 to i32
        %sign3A_311 = arith.subi %sign3A_307, %sign3A_310 : i32
        %ne3A_312 = arith.cmpi ne, %sign3A_304, %sign3A_311 : i32
        %rem3A_313 = arith.remsi %sub3A_295, %jit3A_296 : i32
        %ne3A_314 = arith.constant 0 : i32
        %ne3A_315 = arith.cmpi ne, %rem3A_313, %ne3A_314 : i32
        %and3A_316 = arith.andi %ne3A_312, %ne3A_315 : i1
        %sub3A_317 = arith.constant 1 : i32
        %sub3A_318 = arith.subi %div3A_297, %sub3A_317 : i32
        %select_n3A_319 = arith.select %and3A_316, %sub3A_318, %div3A_297 : i32
        %jit3A_320 = arith.constant 4 : i32
        %eq3A_321 = arith.constant 0 : i32
        %eq3A_322 = arith.cmpi eq, %jit3A_320, %eq3A_321 : i32
        %jit3A_323 = arith.constant 1 : i32
        %select_n3A_324 = arith.select %eq3A_322, %jit3A_323, %jit3A_320 : i32
        %rem3A_325 = arith.remsi %sub3A_295, %select_n3A_324 : i32
        %ne3A_326 = arith.constant 0 : i32
        %ne3A_327 = arith.cmpi ne, %rem3A_325, %ne3A_326 : i32
        %lt3A_328 = arith.constant 0 : i32
        %lt3A_329 = arith.cmpi slt, %rem3A_325, %lt3A_328 : i32
        %lt3A_330 = arith.constant 0 : i32
        %lt3A_331 = arith.cmpi slt, %select_n3A_324, %lt3A_330 : i32
        %ne3A_332 = arith.xori %lt3A_329, %lt3A_331 : i1
        %and3A_333 = arith.andi %ne3A_332, %ne3A_327 : i1
        %add3A_334 = arith.addi %rem3A_325, %select_n3A_324 : i32
        %select_n3A_335 = arith.select %and3A_333, %add3A_334, %rem3A_325 : i32
        %mul3A_336 = arith.constant 128 : i32
        %mul3A_337 = arith.muli %select_n3A_335, %mul3A_336 : i32
        %add3A_338 = arith.addi %mul3A_2, %mul3A_337 : i32
        %dma_wait3A_339 = arith.constant 1 : i32
        %dma_wait3A_340 = arith.constant 0 : i32
        %dma_wait3A_341 = arith.constant 0 : i32
        %dma_wait3A_342 = tpu.memref_slice %arg6[%dma_wait3A_339, %dma_wait3A_340, %dma_wait3A_341] : memref<2x128x128xf32, #tpu.memory_space<vmem>> -> memref<1x128x64xf32, #tpu.memory_space<vmem>>
        %dma_wait3A_343 = tpu.memref_squeeze %dma_wait3A_342 : memref<1x128x64xf32, #tpu.memory_space<vmem>> -> memref<128x64xf32, #tpu.memory_space<vmem>>
        %dma_wait3A_344 = arith.constant 0 : i32
        %dma_wait3A_345 = tpu.memref_slice %arg4[%select_n3A_319, %add3A_338, %dma_wait3A_344] : memref<50x16384x128xf32, #tpu.memory_space<hbm>> -> memref<1x128x64xf32, #tpu.memory_space<hbm>>
        %dma_wait3A_346 = tpu.memref_squeeze %dma_wait3A_345 : memref<1x128x64xf32, #tpu.memory_space<hbm>> -> memref<128x64xf32, #tpu.memory_space<hbm>>
        %dma_wait3A_347 = arith.constant 0 : i32
        %dma_wait3A_348 = tpu.memref_slice %arg4[%select_n3A_319, %add3A_338, %dma_wait3A_347] : memref<50x16384x128xf32, #tpu.memory_space<hbm>> -> memref<1x128x64xf32, #tpu.memory_space<hbm>>
        %dma_wait3A_349 = tpu.memref_squeeze %dma_wait3A_348 : memref<1x128x64xf32, #tpu.memory_space<hbm>> -> memref<128x64xf32, #tpu.memory_space<hbm>>
        %dma_wait3A_350 = arith.constant 0 : i32
        %dma_wait3A_351 = arith.constant 0 : i32
        %dma_wait3A_352 = tpu.memref_slice %arg6[%dma_wait3A_339, %dma_wait3A_350, %dma_wait3A_351] : memref<2x128x128xf32, #tpu.memory_space<vmem>> -> memref<1x128x64xf32, #tpu.memory_space<vmem>>
        %dma_wait3A_353 = tpu.memref_squeeze %dma_wait3A_352 : memref<1x128x64xf32, #tpu.memory_space<vmem>> -> memref<128x64xf32, #tpu.memory_space<vmem>>
        tpu.wait_dma2 semaphore(%arg8 : memref<!tpu.dma_semaphore, #tpu.memory_space<semaphore_mem>>) src(%dma_wait3A_353 : memref<128x64xf32, #tpu.memory_space<vmem>>) dst(%dma_wait3A_349 : memref<128x64xf32, #tpu.memory_space<hbm>>)
      } else {
      }
      %jit3A_236 = arith.constant 4 : i32
      %div3A_237 = arith.divsi %add3A_171, %jit3A_236 : i32
      %sign3A_238 = arith.constant 0 : i32
      %sign3A_239 = arith.cmpi sgt, %add3A_171, %sign3A_238 : i32
      %sign3A_240 = arith.extui %sign3A_239 : i1 to i32
      %sign3A_241 = arith.constant 0 : i32
      %sign3A_242 = arith.cmpi slt, %add3A_171, %sign3A_241 : i32
      %sign3A_243 = arith.extui %sign3A_242 : i1 to i32
      %sign3A_244 = arith.subi %sign3A_240, %sign3A_243 : i32
      %sign3A_245 = arith.constant 0 : i32
      %sign3A_246 = arith.cmpi sgt, %jit3A_236, %sign3A_245 : i32
      %sign3A_247 = arith.extui %sign3A_246 : i1 to i32
      %sign3A_248 = arith.constant 0 : i32
      %sign3A_249 = arith.cmpi slt, %jit3A_236, %sign3A_248 : i32
      %sign3A_250 = arith.extui %sign3A_249 : i1 to i32
      %sign3A_251 = arith.subi %sign3A_247, %sign3A_250 : i32
      %ne3A_252 = arith.cmpi ne, %sign3A_244, %sign3A_251 : i32
      %rem3A_253 = arith.remsi %add3A_171, %jit3A_236 : i32
      %ne3A_254 = arith.constant 0 : i32
      %ne3A_255 = arith.cmpi ne, %rem3A_253, %ne3A_254 : i32
      %and3A_256 = arith.andi %ne3A_252, %ne3A_255 : i1
      %sub3A_257 = arith.constant 1 : i32
      %sub3A_258 = arith.subi %div3A_237, %sub3A_257 : i32
      %select_n3A_259 = arith.select %and3A_256, %sub3A_258, %div3A_237 : i32
      %jit3A_260 = arith.constant 4 : i32
      %eq3A_261 = arith.constant 0 : i32
      %eq3A_262 = arith.cmpi eq, %jit3A_260, %eq3A_261 : i32
      %jit3A_263 = arith.constant 1 : i32
      %select_n3A_264 = arith.select %eq3A_262, %jit3A_263, %jit3A_260 : i32
      %rem3A_265 = arith.remsi %add3A_171, %select_n3A_264 : i32
      %ne3A_266 = arith.constant 0 : i32
      %ne3A_267 = arith.cmpi ne, %rem3A_265, %ne3A_266 : i32
      %lt3A_268 = arith.constant 0 : i32
      %lt3A_269 = arith.cmpi slt, %rem3A_265, %lt3A_268 : i32
      %lt3A_270 = arith.constant 0 : i32
      %lt3A_271 = arith.cmpi slt, %select_n3A_264, %lt3A_270 : i32
      %ne3A_272 = arith.xori %lt3A_269, %lt3A_271 : i1
      %and3A_273 = arith.andi %ne3A_272, %ne3A_267 : i1
      %add3A_274 = arith.addi %rem3A_265, %select_n3A_264 : i32
      %select_n3A_275 = arith.select %and3A_273, %add3A_274, %rem3A_265 : i32
      %mul3A_276 = arith.constant 128 : i32
      %mul3A_277 = arith.muli %select_n3A_275, %mul3A_276 : i32
      %add3A_278 = arith.addi %mul3A_2, %mul3A_277 : i32
      %dma_start3A_279 = arith.constant 1 : i32
      %dma_start3A_280 = arith.constant 0 : i32
      %dma_start3A_281 = arith.constant 0 : i32
      %dma_start3A_282 = tpu.memref_slice %arg6[%dma_start3A_279, %dma_start3A_280, %dma_start3A_281] : memref<2x128x128xf32, #tpu.memory_space<vmem>> -> memref<1x128x64xf32, #tpu.memory_space<vmem>>
      %dma_start3A_283 = tpu.memref_squeeze %dma_start3A_282 : memref<1x128x64xf32, #tpu.memory_space<vmem>> -> memref<128x64xf32, #tpu.memory_space<vmem>>
      %dma_start3A_284 = arith.constant 0 : i32
      %dma_start3A_285 = tpu.memref_slice %arg4[%select_n3A_259, %add3A_278, %dma_start3A_284] : memref<50x16384x128xf32, #tpu.memory_space<hbm>> -> memref<1x128x64xf32, #tpu.memory_space<hbm>>
      %dma_start3A_286 = tpu.memref_squeeze %dma_start3A_285 : memref<1x128x64xf32, #tpu.memory_space<hbm>> -> memref<128x64xf32, #tpu.memory_space<hbm>>
      %dma_start3A_287 = arith.constant 0 : i32
      %dma_start3A_288 = tpu.memref_slice %arg4[%select_n3A_259, %add3A_278, %dma_start3A_287] : memref<50x16384x128xf32, #tpu.memory_space<hbm>> -> memref<1x128x64xf32, #tpu.memory_space<hbm>>
      %dma_start3A_289 = tpu.memref_squeeze %dma_start3A_288 : memref<1x128x64xf32, #tpu.memory_space<hbm>> -> memref<128x64xf32, #tpu.memory_space<hbm>>
      %dma_start3A_290 = arith.constant 0 : i32
      %dma_start3A_291 = arith.constant 0 : i32
      %dma_start3A_292 = tpu.memref_slice %arg6[%dma_start3A_279, %dma_start3A_290, %dma_start3A_291] : memref<2x128x128xf32, #tpu.memory_space<vmem>> -> memref<1x128x64xf32, #tpu.memory_space<vmem>>
      %dma_start3A_293 = tpu.memref_squeeze %dma_start3A_292 : memref<1x128x64xf32, #tpu.memory_space<vmem>> -> memref<128x64xf32, #tpu.memory_space<vmem>>
      tpu.enqueue_dma source(%dma_start3A_293 : memref<128x64xf32, #tpu.memory_space<vmem>>) target(%dma_start3A_289 : memref<128x64xf32, #tpu.memory_space<hbm>>) target_semaphore(%arg8 : memref<!tpu.dma_semaphore, #tpu.memory_space<semaphore_mem>>)
    }
    %scan3A_18 = arith.constant 100 : i32
    %add3A_19 = arith.constant 256 : i32
    %add3A_20 = arith.addi %mul3A_2, %add3A_19 : i32
    %dma_wait3A = arith.constant 0 : i32
    %dma_wait3A_21 = arith.constant 49 : i32
    %dma_wait3A_22 = arith.constant 0 : i32
    %dma_wait3A_23 = arith.constant 0 : i32
    %dma_wait3A_24 = tpu.memref_slice %arg6[%dma_wait3A, %dma_wait3A_22, %dma_wait3A_23] : memref<2x128x128xf32, #tpu.memory_space<vmem>> -> memref<1x128x64xf32, #tpu.memory_space<vmem>>
    %dma_wait3A_25 = tpu.memref_squeeze %dma_wait3A_24 : memref<1x128x64xf32, #tpu.memory_space<vmem>> -> memref<128x64xf32, #tpu.memory_space<vmem>>
    %dma_wait3A_26 = arith.constant 0 : i32
    %dma_wait3A_27 = tpu.memref_slice %arg4[%dma_wait3A_21, %add3A_20, %dma_wait3A_26] : memref<50x16384x128xf32, #tpu.memory_space<hbm>> -> memref<1x128x64xf32, #tpu.memory_space<hbm>>
    %dma_wait3A_28 = tpu.memref_squeeze %dma_wait3A_27 : memref<1x128x64xf32, #tpu.memory_space<hbm>> -> memref<128x64xf32, #tpu.memory_space<hbm>>
    %dma_wait3A_29 = arith.constant 0 : i32
    %dma_wait3A_30 = tpu.memref_slice %arg4[%dma_wait3A_21, %add3A_20, %dma_wait3A_29] : memref<50x16384x128xf32, #tpu.memory_space<hbm>> -> memref<1x128x64xf32, #tpu.memory_space<hbm>>
    %dma_wait3A_31 = tpu.memref_squeeze %dma_wait3A_30 : memref<1x128x64xf32, #tpu.memory_space<hbm>> -> memref<128x64xf32, #tpu.memory_space<hbm>>
    %dma_wait3A_32 = arith.constant 0 : i32
    %dma_wait3A_33 = arith.constant 0 : i32
    %dma_wait3A_34 = tpu.memref_slice %arg6[%dma_wait3A, %dma_wait3A_32, %dma_wait3A_33] : memref<2x128x128xf32, #tpu.memory_space<vmem>> -> memref<1x128x64xf32, #tpu.memory_space<vmem>>
    %dma_wait3A_35 = tpu.memref_squeeze %dma_wait3A_34 : memref<1x128x64xf32, #tpu.memory_space<vmem>> -> memref<128x64xf32, #tpu.memory_space<vmem>>
    tpu.wait_dma2 semaphore(%arg8 : memref<!tpu.dma_semaphore, #tpu.memory_space<semaphore_mem>>) src(%dma_wait3A_35 : memref<128x64xf32, #tpu.memory_space<vmem>>) dst(%dma_wait3A_31 : memref<128x64xf32, #tpu.memory_space<hbm>>)
    %add3A_36 = arith.constant 384 : i32
    %add3A_37 = arith.addi %mul3A_2, %add3A_36 : i32
    %dma_wait3A_38 = arith.constant 1 : i32
    %dma_wait3A_39 = arith.constant 49 : i32
    %dma_wait3A_40 = arith.constant 0 : i32
    %dma_wait3A_41 = arith.constant 0 : i32
    %dma_wait3A_42 = tpu.memref_slice %arg6[%dma_wait3A_38, %dma_wait3A_40, %dma_wait3A_41] : memref<2x128x128xf32, #tpu.memory_space<vmem>> -> memref<1x128x64xf32, #tpu.memory_space<vmem>>
    %dma_wait3A_43 = tpu.memref_squeeze %dma_wait3A_42 : memref<1x128x64xf32, #tpu.memory_space<vmem>> -> memref<128x64xf32, #tpu.memory_space<vmem>>
    %dma_wait3A_44 = arith.constant 0 : i32
    %dma_wait3A_45 = tpu.memref_slice %arg4[%dma_wait3A_39, %add3A_37, %dma_wait3A_44] : memref<50x16384x128xf32, #tpu.memory_space<hbm>> -> memref<1x128x64xf32, #tpu.memory_space<hbm>>
    %dma_wait3A_46 = tpu.memref_squeeze %dma_wait3A_45 : memref<1x128x64xf32, #tpu.memory_space<hbm>> -> memref<128x64xf32, #tpu.memory_space<hbm>>
    %dma_wait3A_47 = arith.constant 0 : i32
    %dma_wait3A_48 = tpu.memref_slice %arg4[%dma_wait3A_39, %add3A_37, %dma_wait3A_47] : memref<50x16384x128xf32, #tpu.memory_space<hbm>> -> memref<1x128x64xf32, #tpu.memory_space<hbm>>
    %dma_wait3A_49 = tpu.memref_squeeze %dma_wait3A_48 : memref<1x128x64xf32, #tpu.memory_space<hbm>> -> memref<128x64xf32, #tpu.memory_space<hbm>>
    %dma_wait3A_50 = arith.constant 0 : i32
    %dma_wait3A_51 = arith.constant 0 : i32
    %dma_wait3A_52 = tpu.memref_slice %arg6[%dma_wait3A_38, %dma_wait3A_50, %dma_wait3A_51] : memref<2x128x128xf32, #tpu.memory_space<vmem>> -> memref<1x128x64xf32, #tpu.memory_space<vmem>>
    %dma_wait3A_53 = tpu.memref_squeeze %dma_wait3A_52 : memref<1x128x64xf32, #tpu.memory_space<vmem>> -> memref<128x64xf32, #tpu.memory_space<vmem>>
    tpu.wait_dma2 semaphore(%arg8 : memref<!tpu.dma_semaphore, #tpu.memory_space<semaphore_mem>>) src(%dma_wait3A_53 : memref<128x64xf32, #tpu.memory_space<vmem>>) dst(%dma_wait3A_49 : memref<128x64xf32, #tpu.memory_space<hbm>>)
    return
  }
}

</mosaic_0001>

<sc_bundles>
// kernel: _emb_lookup.3.cloned.1.call-start
scs
__scs_entry_jumppad:
0x0: {  	(pc) =	sbr.rel $0x88, $3  }
0x1: {  	(tag) =	ssettag $0x0;
	lr =	simm.s32 $0x1  }
0x2: {  	[smem:$0x3F9F] =	sst lr;
	_ =	strace $0xD0000000  }
0x3: {  	_ = 	snop  }
0x4: {  	_ = 	snop  }
0x5: {  	_ = 	snop  }
0x6: {  	_ = 	snop  }
0x7: {  	_ = 	snop  }
__scs_overlays_trampoline_lowered:
0x8: {  	[smem:$0x3FAE] =	sst s0  }
0x9: {  	[smem:$0x3FAF] =	sst s1  }
0xa: {  	[smem:$0x3FB0] =	sst s2  }
0xb: {  	[smem:$0x3FB1] =	sst s3  }
0xc: {  	[smem:$0x3FB2] =	sst s4  }
0xd: {  	[smem:$0x3FB3] =	sst s5  }
0xe: {  	[smem:$0x3FB4] =	sst s6  }
0xf: {  	[smem:$0x3FB5] =	sst s7  }
0x10: {  	[smem:$0x3FB6] =	sst s8  }
0x11: {  	[smem:$0x3FB7] =	sst s9;
	s0 =	simm.s32 @!p0 $0x0  }
0x12: {  	s1 =	sld [smem:$0x3F9D];
	s0 =	simm.s32 @p0 $0x1  }
0x13: {  	[smem:$0x3FB8] =	sst s0;
	s0 =	simm.s32 @!p1 $0x0  }
0x14: {  	s2 =	sld [smem:$0x3F9C];
	s0 =	simm.s32 @p1 $0x1  }
0x15: {  	[smem:$0x3FB9] =	sst s0;
	s0 =	simm.s32 @!p2 $0x0  }
0x16: {  	s3 =	sld [smem:$0x3FDB];
	s0 =	simm.s32 @p2 $0x1  }
0x17: {  	s4 =	simm.s32 $0x1BF5;
	[smem:$0x3FBB] =	sst s0  }
0x18: {  	s0 =	sld [smem:$0x3F9E];
	_ =	swait.ge [sflag:s4], $0x0  }
0x19: {  	s7 =	sld [smem:$0x3F9F]  }
0x1a: {  	s8 =	sadd.s32 $0xFFFFE003, lr  }
0x1b: {  	s9 =	sadd.s32 $0xFFFFFEF7, lr;
	s5 =	simm.s32 $0xFFFFFFFF;
	p2 =	slt.u32 s8, $0xFFFFF086  }
0x1c: {  	p1 =	slt.u32 s9, $0xF7A;
	s5 =	simm.s32 @!p2 $0x0  }
0x1d: {  	s5 =	simm.s32 @p1 $0x1;
	p0 =	seq.s32 s7, s2  }
0x1e: {  	s7 =	smul.u32 @!p0 $0xF7A, s2;
	p2 =	seq.s32 @!p0 s5, $0x0  }
0x1f: {  	s9 =	smul.u32 $0xF7A, s1;
	s8 =	simm.s32 @!p0 $0x1BF5;
	p2 =	por !p2, p0  }
0x20: {  	[sflag:s8] =	ssyncset.s32 @!p0 $0xFFFFF086;
	s6 =	sadd.s32 @!p0 s3, s7;
	s7 =	simm.s32 @!p0 $0x108  }
0x21: {  	s3 =	sadd.s32 s3, s9;
	s6 =	sadd.s32 @!p0 $0x88, s6;
	s7 =	simm.s32 @p2 $0x1082  }
0x22: {  	[simem:s7], [sflag:s8] =	dma.local @!p0 [hbm:s6], $0xF7A  }
0x23: {  	s9 =	sor.u32 $0xD0000000, s2;
	s6 =	simm.s32 $0x108;
	_ =	swait.ge @!p0 [sflag:s8], $0x0  }
0x24: {  	s3 =	sadd.s32 $0x88, s3;
	s6 =	simm.s32 @!p1 $0x1082;
	[sflag:s4] =	ssyncset.s32 $0xFFFFF086  }
0x25: {  	[simem:s6], [sflag:s4] =	dma.local [hbm:s3], $0xF7A  }
0x26: {  	[smem:$0x3F9F] =	sst s1;
	(tag) =	ssettag s2;
	_ =	strace s9  }
0x27: {  	s1 =	sld [smem:$0x3FAF]  }
0x28: {  	s2 =	sld [smem:$0x3FB0]  }
0x29: {  	s4 =	sld [smem:$0x3FB2]  }
0x2a: {  	p0 =	seq.s32 s5, $0x0;
	s5 =	sld [smem:$0x3FB3]  }
0x2b: {  	s6 =	sld [smem:$0x3FB4]  }
0x2c: {  	s7 =	sld [smem:$0x3FB5]  }
0x2d: {  	s3 =	simm.s32 $0x108;
	s8 =	sld [smem:$0x3FB6]  }
0x2e: {  	s3 =	simm.s32 @!p0 $0x1082;
	s9 =	sld [smem:$0x3FB7]  }
0x2f: {  	lr =	sadd.s32 s0, s3;
	s0 =	sld [smem:$0x3FAE]  }
0x30: {  	s3 =	sld [smem:$0x3FB1]  }
0x31: {  	[smem:$0x3FBA] =	sst s10  }
0x32: {  	s10 =	sld [smem:$0x3FB8];
	_ =	sdelay $0x3  }
0x33: {  	p0 =	seq.s32 s10, $0x1;
	s10 =	sld [smem:$0x3FBA];
	_ =	sdelay $0x3  }
0x34: {  	[smem:$0x3FBA] =	sst s10  }
0x35: {  	s10 =	sld [smem:$0x3FB9];
	_ =	sdelay $0x3  }
0x36: {  	p1 =	seq.s32 s10, $0x1;
	s10 =	sld [smem:$0x3FBA];
	_ =	sdelay $0x3  }
0x37: {  	[smem:$0x3FBA] =	sst s10  }
0x38: {  	s10 =	sld [smem:$0x3FBB]  }
0x39: {  	_ = 	snop;
	(pc) =	sbr.ind lr, $3  }
0x3a: {  	_ = 	snop  }
0x3b: {  	_ = 	snop  }
0x3c: {  	p2 =	seq.s32 s10, $0x1;
	s10 =	sld [smem:$0x3FBA]  }
0x3d: {  	_ =	shalt  }
0x3e: {  	_ =	shalt  }
0x3f: {  	_ =	shalt  }
0x40: {  	_ =	shalt  }
0x41: {  	_ =	shalt  }
0x42: {  	_ =	shalt  }
0x43: {  	_ =	shalt  }
0x44: {  	_ =	shalt  }
0x45: {  	_ =	shalt  }
0x46: {  	_ =	shalt  }
0x47: {  	_ =	shalt  }
0x48: {  	_ =	shalt  }
0x49: {  	_ =	shalt  }
0x4a: {  	_ =	shalt  }
0x4b: {  	_ =	shalt  }
0x4c: {  	_ =	shalt  }
0x4d: {  	_ =	shalt  }
0x4e: {  	_ =	shalt  }
0x4f: {  	_ =	shalt  }
0x50: {  	_ =	shalt  }
0x51: {  	_ =	shalt  }
0x52: {  	_ =	shalt  }
0x53: {  	_ =	shalt  }
0x54: {  	_ =	shalt  }
0x55: {  	_ =	shalt  }
0x56: {  	_ =	shalt  }
0x57: {  	_ =	shalt  }
0x58: {  	_ =	shalt  }
0x59: {  	_ =	shalt  }
0x5a: {  	_ =	shalt  }
0x5b: {  	_ =	shalt  }
0x5c: {  	_ =	shalt  }
0x5d: {  	_ =	shalt  }
0x5e: {  	_ =	shalt  }
0x5f: {  	_ =	shalt  }
0x60: {  	_ =	shalt  }
0x61: {  	_ =	shalt  }
0x62: {  	_ =	shalt  }
0x63: {  	_ =	shalt  }
0x64: {  	_ =	shalt  }
0x65: {  	_ =	shalt  }
0x66: {  	_ =	shalt  }
0x67: {  	_ =	shalt  }
0x68: {  	_ =	shalt  }
0x69: {  	_ =	shalt  }
0x6a: {  	_ =	shalt  }
0x6b: {  	_ =	shalt  }
0x6c: {  	_ =	shalt  }
0x6d: {  	_ =	shalt  }
0x6e: {  	_ =	shalt  }
0x6f: {  	_ =	shalt  }
0x70: {  	_ =	shalt  }
0x71: {  	_ =	shalt  }
0x72: {  	_ =	shalt  }
0x73: {  	_ =	shalt  }
0x74: {  	_ =	shalt  }
0x75: {  	_ =	shalt  }
0x76: {  	_ =	shalt  }
0x77: {  	_ =	shalt  }
0x78: {  	_ =	shalt  }
0x79: {  	_ =	shalt  }
0x7a: {  	_ =	shalt  }
0x7b: {  	_ =	shalt  }
0x7c: {  	_ =	shalt  }
0x7d: {  	_ =	shalt  }
0x7e: {  	_ =	shalt  }
0x7f: {  	_ =	shalt  }
0x80: {  	_ =	shalt  }
0x81: {  	_ =	shalt  }
0x82: {  	_ =	shalt  }
0x83: {  	_ =	shalt  }
0x84: {  	_ =	shalt  }
0x85: {  	_ =	shalt  }
0x86: {  	_ =	shalt  }
0x87: {  	_ =	shalt  }
.Lfunc_end0:
.L_simem_size_0:
called_computation_lowered:
.L_overlay_start_0:
0x88: {  	s2 =	sld [smem:$0x3FD9]  }
0x89: {  	s3 =	sld [smem:$0x3FFE];
	_ =	sdelay $0x1  }
0x8a: {  	s1 =	srdreg.scid  }
0x8b: {  	s0 =	sand.u32 $0x1, s1  }
0x8c: {  	s17 =	sshll.u32 s0, $0xA;
	s2 =	sadd.s32 s3, s2  }
0x8d: {  	s2 =	sadd.s32 s2, s17  }
0x8e: {  	[smem:$0x3FC6] =	sst s2  }
0x8f: {  	_ = 	snop  }
0x90: {  	s2 =	sld [smem:$0x3FC8]  }
0x91: {  	s18 =	sld [smem:$0x3FD0];
	(tm) =	ssettm $0x1  }
0x92: {  	s4 =	sld [smem:$0x3FFB];
	_ =	sdelay $0x3  }
0x93: {  	_ =	strace s4  }
0x94: {  	s4 =	sld [smem:$0x3FFC];
	_ =	sdelay $0x3  }
0x95: {  	_ =	strace s4  }
0x96: {  	s4 =	sld [smem:$0x3FFD];
	_ =	sdelay $0x3  }
0x97: {  	_ =	strace s4  }
0x98: {  	_ =	strace $0x8FFFFFFF  }
0x99: {  	s19 =	sld [smem:$0x3FDB];
	_ =	sdelay $0x1  }
0x9a: {  	s5 =	simm.s32 $_scs_section_size  }
0x9b: {  	s6 =	simm.s32 $_size__tile_overlayer_lowered;
	s7 =	simm.s32 $_tile_overlayer_lowered  }
0x9c: {  	s22 =	simm.s32 $0x1BFF;
	s21 =	sshll.u32 s7, $0x1;
	s4 =	sadd.s32 s5, s19  }
0x9d: {  	s8 =	simm.s32 $0x0;
	s20 =	sshll.u32 s6, $0x1;
	s6 =	sadd.s32 s21, s4  }
0x9e: {  	[timem:s8], [sflag:s22] =	dma.local [hbm:s6], s20  }
0x9f: {  	_ =	swait.ge [sflag:s22], s20  }
0xa0: {  	s5 =	ssub.s32 $0x0, s20;
	[sflag:s22] =	ssyncset.done $0x0  }
0xa1: {  	[sflag:s22] =	ssyncadd.s32 s5;
	_ =	sdelay $0x1  }
0xa2: {  	s23 =	simm.s32 $0x1B8B  }
0xa3: {  	_ =	swait.ge [sflag:s23], $0x1  }
0xa4: {  	[sflag:s23] =	ssyncset.done $0x0  }
0xa5: {  	s25 =	simm.s32 $0x1B8E;
	s24 =	sld [smem:$0x3FFE];
	[sflag:s23] =	ssyncadd.s32 $0xFFFFFFFF  }
0xa6: {  	s26 =	simm.s32 $execute0_lowered;
	[smem:$0x3FD2] =	sst s25  }
0xa7: {  	s6 =	sshll.u32 s26, $0x1;
	_ =	strace $0x80000046;
	[dreg:$0x1] =	wrdreg $0xFFFFFFFF  }
0xa8: {  	s28 =	simm.s32 $_size_execute0_lowered;
	s4 =	sadd.s32 s4, s6;
	[dreg:$0x0] =	wrdreg $0x0  }
0xa9: {  	s6 =	sshll.u32 s28, $0x1;
	[dreg:$0x2] =	wrdreg s4  }
0xaa: {  	[dreg:$0x3] =	wrdreg s6  }
0xab: {  	[dreg:$0x4] =	wrdreg $0xC0  }
0xac: {  	_ =	task [dreg:s8], $0x5FFFF  }
0xad: {  	[dreg:$0x1] =	wrdreg $0xFFFFFFFF  }
0xae: {  	[dreg:$0x0] =	wrdreg $0x60  }
0xaf: {  	[dreg:$0x2] =	wrdreg s2  }
0xb0: {  	[dreg:$0x3] =	wrdreg s24  }
0xb1: {  	[dreg:$0x4] =	wrdreg s18  }
0xb2: {  	[dreg:$0x5] =	wrdreg $0x9  }
0xb3: {  	_ =	task.clear_ibuf [dreg:s8], $0x6FFFF;
	_ =	strace $0x90000046  }
0xb4: {  	s29 =	simm.s32 $0x9;
	_ =	strace $0x80000048  }
0xb5: {  	_ =	swait.ge [sflag:s29], $0x1  }
0xb6: {  	[sflag:s29] =	ssyncadd.s32 $0xFFFFFFFF  }
0xb7: {  	_ =	strace $0x90000048  }
0xb8: {  	_ =	sfence  }
0xb9: {  	s30 =	sld [smem:$0x0];
	_ =	sdelay $0x2  }
0xba: {  	s31 =	sshll.u32 s1, $0xD;
	s1 =	sshrl.u32 s1, $0x2  }
0xbb: {  	s3 =	sand.u32 $0x4000, s31;
	s1 =	sadd.s32 s1, s30  }
0xbc: {  	s0 =	sor.u32 s3, s0;
	s1 =	sshll.u32 s1, $0x11  }
0xbd: {  	s0 =	sor.u32 s1, s0  }
0xbe: {  	s0 =	sadd.s32 $0x8F2B, s0  }
0xbf: {  	[sflag:s0] =	ssyncadd.remote.s32 $0x1  }
0xc0: {  	_ =	sfence.sel $0xFFFF  }
0xc1: {  	[dreg:$0x0] =	wrdreg $0xFFFFFFFF;
	(pc) =	sbr.abs _section_cstart, $3  }
0xc2: {  	[dreg:$0x1] =	wrdreg $0xFFFFFFFF  }
0xc3: {  	_ =	task.clear_ibuf [dreg:s8], $0x2FFFF;
	_ =	strace $0x9FFFFFFF  }
0xc4: {  	(tm) =	ssettm $0x7FFFFFFF  }
0xc5: {  	_ =	shalt  }
tec
execute0_lowered:
.L_overlay_start_1:
0x0: {  	(tag) =	ssettag $0x1  }
0x1: {  	s1 =	rddreg [dreg:$0x0]  }
0x2: {  	s2 =	srdreg.scid;
	s6 =	rddreg [dreg:$0x1]  }
0x3: {  	s0 =	stileid.u32;
	s3 =	rddreg [dreg:$0x2]  }
0x4: {  	s10 =	simm.s32 $0x3;
	s11 =	simm.s32 $0x80;
	s12 =	simm.s32 $0x6400  }
0x5: {  	s13 =	simm.s32 $0xA400;
	s14 =	simm.s32 $0x1;
	s15 =	simm.s32 $0x2  }
0x6: {  	s16 =	simm.s32 $0x0;
	s5 =	sand.u32 $0x1, s2;
	s4 =	sshll.u32 s0, $0xA  }
0x7: {  	s2 =	rddreg [dreg:$0x3];
	s7 =	sshll.u32 s5, $0x9;
	s31 =	ssub.s32 $0x2, s5  }
0x8: {  	s5 =	simm.s32 $0x0;
	s4 =	sor.u32 s7, s4;
	s9 =	sshrl.u32 s31, $0x1  }
0x9: {  	[smem:$0x7FF] =	sst s5;
	s8 =	sshrl.u32 s4, $0x3;
	s7 =	ssub.s32 s31, s9  }
0xa: {  	_ =	strace $0x80000047;
	s9 =	simm.s32 $0x4000;
	s6 =	sadd.s32 s8, s6  }
0xb: {  	s7 =	smax.u32 s7, $0x1;
	s8 =	simm.s32 $0x200;
	s6 =	sadd.s32 $0x400, s6  }
.LBB2_1:
0xc: {  	[tilespmem:s5], [sflag:$0x3] =	stream.strided.gather [hbm4b:s6+s8], $0x6400, s9, s8, $0x38;
	[tilespmem:$0xE400] =	vst v63  }
0xd: {  	_ =	swait.ge [sflag:s10], $0x6400  }
0xe: {  	[sflag:s10] =	ssyncset.done $0x0  }
0xf: {  	s17 =	simm.s32 $0x0;
	[sflag:s10] =	ssyncadd.s32 $0xFFFF9C00  }
0x10: {  	[tilespmem:s12], [sflag:$0x1] =	stream.indirect.gather [hbm4b:s1+s11], $0x80, s5, s11, $0xb8;
	[tilespmem:$0xE400] =	vst v63  }
.LBB2_2:
0x11: {  	s19 =	sshll.u32 s17, $0x8  }
0x12: {  	s21 =	sand.u32 $0x100, s19  }
0x13: {  	s19 =	sand.u32 $0x7E00, s19;
	s18 =	sor.u32 $0x80, s21  }
0x14: {  	s20 =	sshll.u32 s17, $0x1;
	s19 =	sor.u32 s18, s19  }
0x15: {  	[tilespmem:s13], [sflag:$0x1] =	stream.indirect.gather [hbm4b:s1+s11], $0x80, s19, s11, $0xb8;
	[tilespmem:$0xE400] =	vst v63  }
0x16: {  	p0 =	seq.s32 s17, $0x0;
	s31 =	sshll.u32 s17, $0x11;
	_ =	swait.ge [sflag:s14], $0x4000  }
0x17: {  	s23 =	simm.s32 $0x10;
	s22 =	simm.s32 @!p0 $0x2;
	[sflag:s14] =	ssyncset.done $0x0  }
0x18: {  	s21 =	sor.u32 s4, s21;
	s19 =	sand.u32 $0xFC0000, s31;
	[sflag:s14] =	ssyncadd.s32 $0xFFFFC000  }
0x19: {  	s21 =	sshll.u32 s21, $0x4;
	s19 =	sadd.s32 s3, s19;
	_ =	swait.ge @!p0 [sflag:s22], $0x2000  }
0x1a: {  	s24 =	simm.s32 $0x6480;
	s21 =	sadd.s32 s21, s19;
	[sflag:s22] =	ssyncset.done @!p0 $0x0  }
0x1b: {  	s25 =	sadd.s32 $0x0, s21;
	[sflag:s22] =	ssyncadd.s32 @!p0 $0xFFFFE000;
	s22 =	simm.s32 $0x6400  }
.LBB2_3:
0x1c: {  	[hbm4b:s25+s5] =	stream.linear.scatter [tilespmem:s22], [sflag:$0x2], $0x40, $0x38;
	[tilespmem:$0xE400] =	vst v63  }
0x1d: {  	s25 =	smov.u32 s23;
	s22 =	smov.u32 s24;
	p1 =	sne.s32 s23, $0x7F0  }
.Ltmp0:
0x1e: {  	s23 =	sadd.s32 $0x10, s23;
	(pc) =	sbr.rel @p1 .LBB2_3-.Ltmp0, $2  }
0x1f: {  	_ =	sdelay $0x2  }
0x20: {  	s24 =	sadd.s32 $0x80, s24;
	s25 =	sadd.s32 s25, s21  }
0x21: {  	p1 =	sne.s32 s17, $0x63  }
.Ltmp1:
0x22: {  	_ = 	snop;
	(pc) =	sbr.rel @p1 .LBB2_6-.Ltmp1, $2  }
0x23: {  	_ =	sdelay $0x2  }
0x24: {  	[hbm4b:s25+s5] =	stream.linear.scatter [tilespmem:s22], [sflag:$0x2], $0x40, $0x38;
	[tilespmem:$0xE400] =	vst v63  }
.Ltmp2:
0x25: {  	(pc) =	sbr.rel .LBB2_7-.Ltmp2, $4  }
0x26: {  	_ = 	snop  }
0x27: {  	_ =	swait.ge [sflag:s14], $0x4000  }
0x28: {  	[sflag:s14] =	ssyncset.done $0x0  }
0x29: {  	[sflag:s14] =	ssyncadd.s32 $0xFFFFC000  }
.LBB2_6:
0x2a: {  	s20 =	sshll.u32 s20, $0x7  }
0x2b: {  	s20 =	sadd.s32 $0x100, s20  }
.Ltmp3:
0x2c: {  	s20 =	sand.u32 $0xFF00, s20;
	(pc) =	sbr.rel @p0 .LBB2_8-.Ltmp3, $4  }
0x2d: {  	[tilespmem:s12], [sflag:$0x1] =	stream.indirect.gather [hbm4b:s1+s11], $0x80, s20, s11, $0xb8;
	[tilespmem:$0xE400] =	vst v63  }
0x2e: {  	_ =	swait.ge [sflag:s14], $0x4000  }
0x2f: {  	[sflag:s14] =	ssyncset.done $0x0  }
0x30: {  	[sflag:s14] =	ssyncadd.s32 $0xFFFFC000  }
.LBB2_7:
0x31: {  	_ =	swait.ge [sflag:s15], $0x2000  }
0x32: {  	[sflag:s15] =	ssyncset.done $0x0  }
0x33: {  	[sflag:s15] =	ssyncadd.s32 $0xFFFFE000  }
.LBB2_8:
0x34: {  	s18 =	sor.u32 s4, s18  }
0x35: {  	s18 =	sshll.u32 s18, $0x4  }
0x36: {  	s20 =	simm.s32 $0x10;
	s18 =	sadd.s32 s18, s19  }
0x37: {  	s21 =	simm.s32 $0xA480;
	s19 =	simm.s32 $0xA400;
	s22 =	sadd.s32 $0x0, s18  }
.LBB2_9:
0x38: {  	[hbm4b:s22+s5] =	stream.linear.scatter [tilespmem:s19], [sflag:$0x2], $0x40, $0x38;
	[tilespmem:$0xE400] =	vst v63  }
0x39: {  	s22 =	smov.u32 s20;
	s19 =	smov.u32 s21;
	p0 =	sne.s32 s20, $0x7F0  }
.Ltmp4:
0x3a: {  	s20 =	sadd.s32 $0x10, s20;
	(pc) =	sbr.rel @p0 .LBB2_9-.Ltmp4, $2  }
0x3b: {  	_ =	sdelay $0x2  }
0x3c: {  	s21 =	sadd.s32 $0x80, s21;
	s22 =	sadd.s32 s22, s18  }
0x3d: {  	s17 =	sadd.s32 $0x1, s17  }
0x3e: {  	p0 =	sne.s32 s17, $0x64  }
.Ltmp5:
0x3f: {  	_ = 	snop;
	(pc) =	sbr.rel @p0 .LBB2_2-.Ltmp5, $2  }
0x40: {  	_ =	sdelay $0x2  }
0x41: {  	[hbm4b:s22+s5] =	stream.linear.scatter [tilespmem:s19], [sflag:$0x2], $0x40, $0x38;
	[tilespmem:$0xE400] =	vst v63  }
0x42: {  	s16 =	sadd.s32 $0x1, s16  }
0x43: {  	_ =	swait.ge [sflag:s15], $0x2000;
	p0 =	sne.s32 s16, s7  }
.Ltmp6:
0x44: {  	[sflag:s15] =	ssyncset.done $0x0;
	(pc) =	sbr.rel @p0 .LBB2_1-.Ltmp6, $4  }
0x45: {  	[sflag:s15] =	ssyncadd.s32 $0xFFFFE000  }
0x46: {  	_ =	swait.ge [sflag:s15], $0x2000  }
0x47: {  	[sflag:s15] =	ssyncset.done $0x0  }
0x48: {  	[sflag:s15] =	ssyncadd.s32 $0xFFFFE000  }
0x49: {  	_ =	sfence.sel $0x180000  }
0x4a: {  	[bflag:$0x0] =	sbarrier.arrive $0xFFFF  }
0x4b: {  	p0 =	sne.s32 s0, $0x0;
	_ =	strace $0x90000047  }
0x4c: {  	s0 =	sadd.s32 @!p0 $0x100000, s2;
	[bflag:$0x2] =	sbarrier.arrive $0xFFFF  }
0x4d: {  	[sflag:s0] =	ssyncadd.tile.s32 @!p0 $0x1;
	_ =	shalt  }
.Lfunc_end2:
_tile_overlayer_lowered:
.L_overlay_start_2:
0x4e: {  	(tag) =	ssettag $0x2  }
0x4f: {  	s0 =	rddreg [dreg:$0x0];
	s2 =	stileid.u32  }
0x50: {  	s1 =	rddreg [dreg:$0x1];
	p0 =	sne.s32 s2, $0x0  }
0x51: {  	s3 =	rddreg [dreg:$0x2];
	[bflag:$0x3] =	sbarrier.arrive $0xFFFF;
	s2 =	simm.s32 @!p0 $0x1C03  }
0x52: {  	[timem:s3], [sflag:s2] =	dma.local @!p0 [hbm:s0], s1  }
0x53: {  	s0 =	simm.s32 @!p0 $0x3  }
0x54: {  	_ =	swait.ge @!p0 [sflag:s0], s1  }
0x55: {  	s1 =	ssub.s32 @!p0 $0x0, s1;
	[sflag:s0] =	ssyncset.done @!p0 $0x0  }
0x56: {  	[sflag:s0] =	ssyncadd.s32 @!p0 s1  }
0x57: {  	[bflag:$0x3] =	sbarrier.arrive $0xFFFF  }
0x58: {  	_ =	shalt  }

</sc_bundles>
